<compile_context>
chip_gen: v7x
topology: tpu7x:2x2x1
jax: 0.10.2.dev20260603
libtpu: 0.0.44.dev20260713+nightly
codegen_flags: <defaults>
</compile_context>

<pallas_src>
import functools

import jax
import jax.numpy as jnp
from jax import lax
from jax.experimental import pallas as pl
from jax.experimental.pallas import tpu as pltpu
from jax.experimental.pallas import tpu_sc as plsc


def _tanh_block(x_ref, o_ref):
    o_ref[...] = jnp.tanh(x_ref[...])


def _tc_tanh(x):
    rows, h, w = x.shape
    block = 24
    grid = rows // block
    return pl.pallas_call(
        _tanh_block,
        out_shape=jax.ShapeDtypeStruct((rows, h, w), jnp.float32),
        grid=(grid,),
        in_specs=[pl.BlockSpec((block, h, w), lambda i: (i, 0, 0))],
        out_specs=pl.BlockSpec((block, h, w), lambda i: (i, 0, 0)),
    )(x)


def _sc_tanh(x):
    rows, h, w = x.shape
    NC, NS = 2, 16
    NW = NC * NS
    per_w = rows // NW
    RCH = 96
    nch = h // RCH
    mesh = plsc.VectorSubcoreMesh(core_axis_name="c", subcore_axis_name="s")

    @functools.partial(
        pl.kernel,
        mesh=mesh,
        out_type=jax.ShapeDtypeStruct((rows, h, w), jnp.float32),
        scratch_types=[pltpu.VMEM((RCH, w), jnp.float32)],
    )
    def k(x_hbm, o_hbm, buf):
        wid = lax.axis_index("s") * NC + lax.axis_index("c")
        base = wid * per_w

        def img_body(ii, carry):
            i = base + ii

            def ch_body(c, carry2):
                r0 = c * RCH
                pltpu.sync_copy(x_hbm.at[i, pl.ds(r0, RCH)], buf)

                def row_body(r, carry3):
                    def col_body(j, carry4):
                        v = buf[r, pl.ds(j * 16, 16)]
                        t = jnp.exp(v * 2.0)
                        buf[r, pl.ds(j * 16, 16)] = 1.0 - 2.0 / (t + 1.0)
                        return carry4

                    return lax.fori_loop(0, w // 16, col_body, carry3)

                lax.fori_loop(0, RCH, row_body, 0)
                pltpu.sync_copy(buf, o_hbm.at[i, pl.ds(r0, RCH)])
                return carry2

            lax.fori_loop(0, nch, ch_body, 0)
            return carry

        lax.fori_loop(0, per_w, img_body, 0)

    return k(x)


def kernel(input, images):
    b = input.shape[0]
    n = images.shape[0]
    if b < n:
        images = images[:b]
    shape = images.shape
    h, w = shape[-2], shape[-1]
    rows = images.size // (h * w)
    x = images.reshape(rows, h, w)
    out = _sc_tanh(x)
    return out.reshape(shape)

# --- scband reference (transcript-rebuilt; emitter-appended) ---
"""Pipeline reference for scband-generator-58222576664674 (READ-ONLY COPY).

The authoritative reference and input builder live on the scoring server;
editing this copy changes nothing except your own understanding.
"""

import jax, jax.numpy as jnp
import numpy as np

N = 64
OUTPUT_DIM = 384
Z_DIM = 128

def setup_inputs(seed: int = 0) -> dict:
    key = jax.random.key(seed)
    k1, k2 = jax.random.split(key)
    inp = jax.random.normal(k1, (64, Z_DIM), dtype=jnp.float32)
    images = jax.random.normal(k2, (N, 3, OUTPUT_DIM, OUTPUT_DIM), dtype=jnp.float32) * 0.5
    return {"input": inp, "images": images}

def reference(input, images):
    b = input.shape[0]
    n = images.shape[0]
    if b < n:
        # original uses randperm; deterministic equivalent for b < n: take first b
        outputs = images[:b]
    else:
        outputs = images
    return jnp.tanh(outputs)

if __name__ == "__main__":
    import jax
    _d = setup_inputs()
    print(jax.jit(kernel)(*tuple(_d.values())))

</pallas_src>

<mosaic_0001>
#map = affine_map<(d0, d1) -> (0, 0, 0)>
module attributes {stable_mosaic.version = 14 : i64} {
  func.func @k(%arg0: i32, %arg1: i32, %arg2: memref<192x384x384xf32, #tpu.memory_space<hbm>>, %arg3: memref<192x384x384xf32, #tpu.memory_space<hbm>>, %arg4: memref<96x384xf32, #tpu.memory_space<vmem>>) attributes {dimension_semantics = [#tpu.dimension_semantics<core_parallel>, #tpu.dimension_semantics<subcore_parallel>], iteration_bounds = array<i64: 2, 16>, scalar_prefetch = 0 : i64, scratch_operands = 1 : i64, tpu.core_type = #tpu.core_type<sc_vector_subcore>, window_params = [{transform_indices = #map}, {transform_indices = #map}]} {
    %mul3A = arith.constant 2 : i32
    %mul3A_0 = arith.muli %arg1, %mul3A : i32
    %add3A = arith.addi %mul3A_0, %arg0 : i32
    %mul3A_1 = arith.constant 6 : i32
    %mul3A_2 = arith.muli %add3A, %mul3A_1 : i32
    %scan3A = arith.constant 0 : i32
    %scan3A_3 = arith.constant 0 : i32
    %scan3A_4 = arith.constant 6 : i32
    %scan3A_5 = arith.addi %scan3A_3, %scan3A_4 : i32
    %scan3A_6 = arith.constant 1 : i32
    scf.for %scan3A_8 = %scan3A_3 to %scan3A_5 step %scan3A_6  : i32 {
      %add3A_9 = arith.addi %mul3A_2, %scan3A_8 : i32
      %scan3A_10 = arith.constant 0 : i32
      %scan3A_11 = arith.constant 0 : i32
      %scan3A_12 = arith.constant 4 : i32
      %scan3A_13 = arith.addi %scan3A_11, %scan3A_12 : i32
      %scan3A_14 = arith.constant 1 : i32
      scf.for %scan3A_16 = %scan3A_11 to %scan3A_13 step %scan3A_14  : i32 {
        %mul3A_17 = arith.constant 96 : i32
        %mul3A_18 = arith.muli %scan3A_16, %mul3A_17 : i32
        "tpu.region"() ({
          %run_scoped3A = tpu.sem_alloc : memref<!tpu.dma_semaphore, #tpu.memory_space<semaphore_mem>>
          %dma_start3A = arith.constant 0 : i32
          %dma_start3A_25 = tpu.memref_slice %arg2[%add3A_9, %mul3A_18, %dma_start3A] : memref<192x384x384xf32, #tpu.memory_space<hbm>> -> memref<1x96x384xf32, #tpu.memory_space<hbm>>
          %dma_start3A_26 = tpu.memref_squeeze %dma_start3A_25 : memref<1x96x384xf32, #tpu.memory_space<hbm>> -> memref<96x384xf32, #tpu.memory_space<hbm>>
          %dma_start3A_27 = arith.constant 0 : i32
          %dma_start3A_28 = tpu.memref_slice %arg2[%add3A_9, %mul3A_18, %dma_start3A_27] : memref<192x384x384xf32, #tpu.memory_space<hbm>> -> memref<1x96x384xf32, #tpu.memory_space<hbm>>
          %dma_start3A_29 = tpu.memref_squeeze %dma_start3A_28 : memref<1x96x384xf32, #tpu.memory_space<hbm>> -> memref<96x384xf32, #tpu.memory_space<hbm>>
          tpu.enqueue_dma source(%dma_start3A_29 : memref<96x384xf32, #tpu.memory_space<hbm>>) target(%arg4 : memref<96x384xf32, #tpu.memory_space<vmem>>) target_semaphore(%run_scoped3A : memref<!tpu.dma_semaphore, #tpu.memory_space<semaphore_mem>>)
          %dma_wait3A = arith.constant 0 : i32
          %dma_wait3A_30 = tpu.memref_slice %arg2[%add3A_9, %mul3A_18, %dma_wait3A] : memref<192x384x384xf32, #tpu.memory_space<hbm>> -> memref<1x96x384xf32, #tpu.memory_space<hbm>>
          %dma_wait3A_31 = tpu.memref_squeeze %dma_wait3A_30 : memref<1x96x384xf32, #tpu.memory_space<hbm>> -> memref<96x384xf32, #tpu.memory_space<hbm>>
          %dma_wait3A_32 = arith.constant 0 : i32
          %dma_wait3A_33 = tpu.memref_slice %arg2[%add3A_9, %mul3A_18, %dma_wait3A_32] : memref<192x384x384xf32, #tpu.memory_space<hbm>> -> memref<1x96x384xf32, #tpu.memory_space<hbm>>
          %dma_wait3A_34 = tpu.memref_squeeze %dma_wait3A_33 : memref<1x96x384xf32, #tpu.memory_space<hbm>> -> memref<96x384xf32, #tpu.memory_space<hbm>>
          tpu.wait_dma2 semaphore(%run_scoped3A : memref<!tpu.dma_semaphore, #tpu.memory_space<semaphore_mem>>) src(%dma_wait3A_34 : memref<96x384xf32, #tpu.memory_space<hbm>>) dst(%arg4 : memref<96x384xf32, #tpu.memory_space<vmem>>)
          tpu.yield
        }) : () -> ()
        %scan3A_19 = arith.constant 0 : i32
        %scan3A_20 = arith.constant 0 : i32
        %scan3A_21 = arith.constant 96 : i32
        %scan3A_22 = arith.addi %scan3A_20, %scan3A_21 : i32
        %scan3A_23 = arith.constant 1 : i32
        scf.for %scan3A_25 = %scan3A_20 to %scan3A_22 step %scan3A_23  : i32 {
          %scan3A_26 = arith.constant 0 : i32
          %scan3A_27 = arith.constant 24 : i32
          %scan3A_28 = arith.addi %scan3A_26, %scan3A_27 : i32
          %scan3A_29 = arith.constant 1 : i32
          scf.for %scan3A_31 = %scan3A_26 to %scan3A_28 step %scan3A_29  : i32 {
            %mul3A_32 = arith.constant 16 : i32
            %mul3A_33 = arith.muli %scan3A_31, %mul3A_32 : i32
            %get3A = arith.index_cast %scan3A_25 : i32 to index
            %get3A_34 = arith.index_cast %mul3A_33 : i32 to index
            %get3A_35 = tpu.vector_load %arg4[%get3A, %get3A_34] {strides = array<i32>} : memref<96x384xf32, #tpu.memory_space<vmem>>, vector<1x16xf32>,
            %get3A_36 = vector.shape_cast %get3A_35 : vector<1x16xf32> to vector<16xf32>
            %mul3A_37 = arith.constant 2.000000e+00 : f32
            %mul3A_38 = vector.broadcast %mul3A_37 : f32 to vector<16xf32>
            %mul3A_39 = arith.mulf %get3A_36, %mul3A_38 : vector<16xf32>
            %exp3A = math.exp %mul3A_39 : vector<16xf32>
            %add3A_40 = arith.constant 1.000000e+00 : f32
            %add3A_41 = vector.broadcast %add3A_40 : f32 to vector<16xf32>
            %add3A_42 = arith.addf %exp3A, %add3A_41 : vector<16xf32>
            %div3A = arith.constant 2.000000e+00 : f32
            %div3A_43 = vector.broadcast %div3A : f32 to vector<16xf32>
            %div3A_44 = arith.divf %div3A_43, %add3A_42 : vector<16xf32>
            %sub3A = arith.constant 1.000000e+00 : f32
            %sub3A_45 = vector.broadcast %sub3A : f32 to vector<16xf32>
            %sub3A_46 = arith.subf %sub3A_45, %div3A_44 : vector<16xf32>
            %mul3A_47 = arith.constant 16 : i32
            %mul3A_48 = arith.muli %scan3A_31, %mul3A_47 : i32
            %swap3A = arith.index_cast %scan3A_25 : i32 to index
            %swap3A_49 = arith.index_cast %mul3A_48 : i32 to index
            %swap3A_50 = tpu.vector_load %arg4[%swap3A, %swap3A_49] {strides = array<i32>} : memref<96x384xf32, #tpu.memory_space<vmem>>, vector<1x16xf32>,
            %swap3A_51 = vector.shape_cast %swap3A_50 : vector<1x16xf32> to vector<16xf32>
            %swap3A_52 = vector.shape_cast %sub3A_46 : vector<16xf32> to vector<1x16xf32>
            tpu.vector_store %arg4[%swap3A, %swap3A_49], %swap3A_52 {strides = array<i32>} : memref<96x384xf32, #tpu.memory_space<vmem>>, vector<1x16xf32>,
          }
          %scan3A_30 = arith.constant 24 : i32
        }
        %scan3A_24 = arith.constant 96 : i32
        "tpu.region"() ({
          %run_scoped3A = tpu.sem_alloc : memref<!tpu.dma_semaphore, #tpu.memory_space<semaphore_mem>>
          %dma_start3A = arith.constant 0 : i32
          %dma_start3A_25 = tpu.memref_slice %arg3[%add3A_9, %mul3A_18, %dma_start3A] : memref<192x384x384xf32, #tpu.memory_space<hbm>> -> memref<1x96x384xf32, #tpu.memory_space<hbm>>
          %dma_start3A_26 = tpu.memref_squeeze %dma_start3A_25 : memref<1x96x384xf32, #tpu.memory_space<hbm>> -> memref<96x384xf32, #tpu.memory_space<hbm>>
          %dma_start3A_27 = arith.constant 0 : i32
          %dma_start3A_28 = tpu.memref_slice %arg3[%add3A_9, %mul3A_18, %dma_start3A_27] : memref<192x384x384xf32, #tpu.memory_space<hbm>> -> memref<1x96x384xf32, #tpu.memory_space<hbm>>
          %dma_start3A_29 = tpu.memref_squeeze %dma_start3A_28 : memref<1x96x384xf32, #tpu.memory_space<hbm>> -> memref<96x384xf32, #tpu.memory_space<hbm>>
          tpu.enqueue_dma source(%arg4 : memref<96x384xf32, #tpu.memory_space<vmem>>) target(%dma_start3A_29 : memref<96x384xf32, #tpu.memory_space<hbm>>) target_semaphore(%run_scoped3A : memref<!tpu.dma_semaphore, #tpu.memory_space<semaphore_mem>>)
          %dma_wait3A = arith.constant 0 : i32
          %dma_wait3A_30 = tpu.memref_slice %arg3[%add3A_9, %mul3A_18, %dma_wait3A] : memref<192x384x384xf32, #tpu.memory_space<hbm>> -> memref<1x96x384xf32, #tpu.memory_space<hbm>>
          %dma_wait3A_31 = tpu.memref_squeeze %dma_wait3A_30 : memref<1x96x384xf32, #tpu.memory_space<hbm>> -> memref<96x384xf32, #tpu.memory_space<hbm>>
          %dma_wait3A_32 = arith.constant 0 : i32
          %dma_wait3A_33 = tpu.memref_slice %arg3[%add3A_9, %mul3A_18, %dma_wait3A_32] : memref<192x384x384xf32, #tpu.memory_space<hbm>> -> memref<1x96x384xf32, #tpu.memory_space<hbm>>
          %dma_wait3A_34 = tpu.memref_squeeze %dma_wait3A_33 : memref<1x96x384xf32, #tpu.memory_space<hbm>> -> memref<96x384xf32, #tpu.memory_space<hbm>>
          tpu.wait_dma2 semaphore(%run_scoped3A : memref<!tpu.dma_semaphore, #tpu.memory_space<semaphore_mem>>) src(%arg4 : memref<96x384xf32, #tpu.memory_space<vmem>>) dst(%dma_wait3A_34 : memref<96x384xf32, #tpu.memory_space<hbm>>)
          tpu.yield
        }) : () -> ()
      }
      %scan3A_15 = arith.constant 4 : i32
    }
    %scan3A_7 = arith.constant 6 : i32
    return
  }
}

</mosaic_0001>

<sc_bundles>
// kernel: kernel.3.cloned.1.call-start
scs
__scs_entry_jumppad:
0x0: {  	(pc) =	sbr.rel $0x88, $3  }
0x1: {  	(tag) =	ssettag $0x0;
	lr =	simm.s32 $0x1  }
0x2: {  	[smem:$0x3FA0] =	sst lr;
	_ =	strace $0xD0000000  }
0x3: {  	_ = 	snop  }
0x4: {  	_ = 	snop  }
0x5: {  	_ = 	snop  }
0x6: {  	_ = 	snop  }
0x7: {  	_ = 	snop  }
__scs_overlays_trampoline_lowered:
0x8: {  	[smem:$0x3FAF] =	sst s0  }
0x9: {  	[smem:$0x3FB0] =	sst s1  }
0xa: {  	[smem:$0x3FB1] =	sst s2  }
0xb: {  	[smem:$0x3FB2] =	sst s3  }
0xc: {  	[smem:$0x3FB3] =	sst s4  }
0xd: {  	[smem:$0x3FB4] =	sst s5  }
0xe: {  	[smem:$0x3FB5] =	sst s6  }
0xf: {  	[smem:$0x3FB6] =	sst s7  }
0x10: {  	[smem:$0x3FB7] =	sst s8  }
0x11: {  	[smem:$0x3FB8] =	sst s9;
	s0 =	simm.s32 @!p0 $0x0  }
0x12: {  	s1 =	sld [smem:$0x3F9E];
	s0 =	simm.s32 @p0 $0x1  }
0x13: {  	[smem:$0x3FB9] =	sst s0;
	s0 =	simm.s32 @!p1 $0x0  }
0x14: {  	s2 =	sld [smem:$0x3F9D];
	s0 =	simm.s32 @p1 $0x1  }
0x15: {  	[smem:$0x3FBA] =	sst s0;
	s0 =	simm.s32 @!p2 $0x0  }
0x16: {  	s3 =	sld [smem:$0x3FDB];
	s0 =	simm.s32 @p2 $0x1  }
0x17: {  	s4 =	simm.s32 $0x1BF5;
	[smem:$0x3FBC] =	sst s0  }
0x18: {  	s0 =	sld [smem:$0x3F9F];
	_ =	swait.ge [sflag:s4], $0x0  }
0x19: {  	s7 =	sld [smem:$0x3FA0]  }
0x1a: {  	s8 =	sadd.s32 $0xFFFFE003, lr  }
0x1b: {  	s9 =	sadd.s32 $0xFFFFFEF7, lr;
	s5 =	simm.s32 $0xFFFFFFFF;
	p2 =	slt.u32 s8, $0xFFFFF086  }
0x1c: {  	p1 =	slt.u32 s9, $0xF7A;
	s5 =	simm.s32 @!p2 $0x0  }
0x1d: {  	s5 =	simm.s32 @p1 $0x1;
	p0 =	seq.s32 s7, s2  }
0x1e: {  	s7 =	smul.u32 @!p0 $0xF7A, s2;
	p2 =	seq.s32 @!p0 s5, $0x0  }
0x1f: {  	s9 =	smul.u32 $0xF7A, s1;
	s8 =	simm.s32 @!p0 $0x1BF5;
	p2 =	por !p2, p0  }
0x20: {  	[sflag:s8] =	ssyncset.s32 @!p0 $0xFFFFF086;
	s6 =	sadd.s32 @!p0 s3, s7;
	s7 =	simm.s32 @!p0 $0x108  }
0x21: {  	s3 =	sadd.s32 s3, s9;
	s6 =	sadd.s32 @!p0 $0x88, s6;
	s7 =	simm.s32 @p2 $0x1082  }
0x22: {  	[simem:s7], [sflag:s8] =	dma.local @!p0 [hbm:s6], $0xF7A  }
0x23: {  	s9 =	sor.u32 $0xD0000000, s2;
	s6 =	simm.s32 $0x108;
	_ =	swait.ge @!p0 [sflag:s8], $0x0  }
0x24: {  	s3 =	sadd.s32 $0x88, s3;
	s6 =	simm.s32 @!p1 $0x1082;
	[sflag:s4] =	ssyncset.s32 $0xFFFFF086  }
0x25: {  	[simem:s6], [sflag:s4] =	dma.local [hbm:s3], $0xF7A  }
0x26: {  	[smem:$0x3FA0] =	sst s1;
	(tag) =	ssettag s2;
	_ =	strace s9  }
0x27: {  	s1 =	sld [smem:$0x3FB0]  }
0x28: {  	s2 =	sld [smem:$0x3FB1]  }
0x29: {  	s4 =	sld [smem:$0x3FB3]  }
0x2a: {  	p0 =	seq.s32 s5, $0x0;
	s5 =	sld [smem:$0x3FB4]  }
0x2b: {  	s6 =	sld [smem:$0x3FB5]  }
0x2c: {  	s7 =	sld [smem:$0x3FB6]  }
0x2d: {  	s3 =	simm.s32 $0x108;
	s8 =	sld [smem:$0x3FB7]  }
0x2e: {  	s3 =	simm.s32 @!p0 $0x1082;
	s9 =	sld [smem:$0x3FB8]  }
0x2f: {  	lr =	sadd.s32 s0, s3;
	s0 =	sld [smem:$0x3FAF]  }
0x30: {  	s3 =	sld [smem:$0x3FB2]  }
0x31: {  	[smem:$0x3FBB] =	sst s10  }
0x32: {  	s10 =	sld [smem:$0x3FB9];
	_ =	sdelay $0x3  }
0x33: {  	p0 =	seq.s32 s10, $0x1;
	s10 =	sld [smem:$0x3FBB];
	_ =	sdelay $0x3  }
0x34: {  	[smem:$0x3FBB] =	sst s10  }
0x35: {  	s10 =	sld [smem:$0x3FBA];
	_ =	sdelay $0x3  }
0x36: {  	p1 =	seq.s32 s10, $0x1;
	s10 =	sld [smem:$0x3FBB];
	_ =	sdelay $0x3  }
0x37: {  	[smem:$0x3FBB] =	sst s10  }
0x38: {  	s10 =	sld [smem:$0x3FBC]  }
0x39: {  	_ = 	snop;
	(pc) =	sbr.ind lr, $3  }
0x3a: {  	_ = 	snop  }
0x3b: {  	_ = 	snop  }
0x3c: {  	p2 =	seq.s32 s10, $0x1;
	s10 =	sld [smem:$0x3FBB]  }
0x3d: {  	_ =	shalt  }
0x3e: {  	_ =	shalt  }
0x3f: {  	_ =	shalt  }
0x40: {  	_ =	shalt  }
0x41: {  	_ =	shalt  }
0x42: {  	_ =	shalt  }
0x43: {  	_ =	shalt  }
0x44: {  	_ =	shalt  }
0x45: {  	_ =	shalt  }
0x46: {  	_ =	shalt  }
0x47: {  	_ =	shalt  }
0x48: {  	_ =	shalt  }
0x49: {  	_ =	shalt  }
0x4a: {  	_ =	shalt  }
0x4b: {  	_ =	shalt  }
0x4c: {  	_ =	shalt  }
0x4d: {  	_ =	shalt  }
0x4e: {  	_ =	shalt  }
0x4f: {  	_ =	shalt  }
0x50: {  	_ =	shalt  }
0x51: {  	_ =	shalt  }
0x52: {  	_ =	shalt  }
0x53: {  	_ =	shalt  }
0x54: {  	_ =	shalt  }
0x55: {  	_ =	shalt  }
0x56: {  	_ =	shalt  }
0x57: {  	_ =	shalt  }
0x58: {  	_ =	shalt  }
0x59: {  	_ =	shalt  }
0x5a: {  	_ =	shalt  }
0x5b: {  	_ =	shalt  }
0x5c: {  	_ =	shalt  }
0x5d: {  	_ =	shalt  }
0x5e: {  	_ =	shalt  }
0x5f: {  	_ =	shalt  }
0x60: {  	_ =	shalt  }
0x61: {  	_ =	shalt  }
0x62: {  	_ =	shalt  }
0x63: {  	_ =	shalt  }
0x64: {  	_ =	shalt  }
0x65: {  	_ =	shalt  }
0x66: {  	_ =	shalt  }
0x67: {  	_ =	shalt  }
0x68: {  	_ =	shalt  }
0x69: {  	_ =	shalt  }
0x6a: {  	_ =	shalt  }
0x6b: {  	_ =	shalt  }
0x6c: {  	_ =	shalt  }
0x6d: {  	_ =	shalt  }
0x6e: {  	_ =	shalt  }
0x6f: {  	_ =	shalt  }
0x70: {  	_ =	shalt  }
0x71: {  	_ =	shalt  }
0x72: {  	_ =	shalt  }
0x73: {  	_ =	shalt  }
0x74: {  	_ =	shalt  }
0x75: {  	_ =	shalt  }
0x76: {  	_ =	shalt  }
0x77: {  	_ =	shalt  }
0x78: {  	_ =	shalt  }
0x79: {  	_ =	shalt  }
0x7a: {  	_ =	shalt  }
0x7b: {  	_ =	shalt  }
0x7c: {  	_ =	shalt  }
0x7d: {  	_ =	shalt  }
0x7e: {  	_ =	shalt  }
0x7f: {  	_ =	shalt  }
0x80: {  	_ =	shalt  }
0x81: {  	_ =	shalt  }
0x82: {  	_ =	shalt  }
0x83: {  	_ =	shalt  }
0x84: {  	_ =	shalt  }
0x85: {  	_ =	shalt  }
0x86: {  	_ =	shalt  }
0x87: {  	_ =	shalt  }
.Lfunc_end0:
.L_simem_size_0:
called_computation_lowered:
.L_overlay_start_0:
0x88: {  	s2 =	sld [smem:$0x3FD9]  }
0x89: {  	s3 =	sld [smem:$0x3FFE];
	_ =	sdelay $0x1  }
0x8a: {  	s1 =	srdreg.scid  }
0x8b: {  	s0 =	sand.u32 $0x1, s1  }
0x8c: {  	s18 =	sshll.u32 s0, $0xA;
	s2 =	sadd.s32 s3, s2  }
0x8d: {  	s2 =	sadd.s32 s2, s18  }
0x8e: {  	[smem:$0x3FC7] =	sst s2  }
0x8f: {  	_ = 	snop  }
0x90: {  	s2 =	sld [smem:$0x3FC9]  }
0x91: {  	s19 =	sld [smem:$0x3FD0];
	(tm) =	ssettm $0x1  }
0x92: {  	s4 =	sld [smem:$0x3FFB];
	_ =	sdelay $0x3  }
0x93: {  	_ =	strace s4  }
0x94: {  	s4 =	sld [smem:$0x3FFC];
	_ =	sdelay $0x3  }
0x95: {  	_ =	strace s4  }
0x96: {  	s4 =	sld [smem:$0x3FFD];
	_ =	sdelay $0x3  }
0x97: {  	_ =	strace s4  }
0x98: {  	_ =	strace $0x8FFFFFFF  }
0x99: {  	s20 =	sld [smem:$0x3FDB];
	_ =	sdelay $0x1  }
0x9a: {  	s5 =	simm.s32 $_scs_section_size  }
0x9b: {  	s6 =	simm.s32 $_size__tile_overlayer_lowered;
	s7 =	simm.s32 $_tile_overlayer_lowered  }
0x9c: {  	s23 =	simm.s32 $0x1BFF;
	s22 =	sshll.u32 s7, $0x1;
	s4 =	sadd.s32 s5, s20  }
0x9d: {  	s8 =	simm.s32 $0x0;
	s21 =	sshll.u32 s6, $0x1;
	s6 =	sadd.s32 s22, s4  }
0x9e: {  	[timem:s8], [sflag:s23] =	dma.local [hbm:s6], s21  }
0x9f: {  	_ =	swait.ge [sflag:s23], s21  }
0xa0: {  	s5 =	ssub.s32 $0x0, s21;
	[sflag:s23] =	ssyncset.done $0x0  }
0xa1: {  	[sflag:s23] =	ssyncadd.s32 s5;
	_ =	sdelay $0x1  }
0xa2: {  	s24 =	simm.s32 $0x1B8B  }
0xa3: {  	_ =	swait.ge [sflag:s24], $0x1  }
0xa4: {  	[sflag:s24] =	ssyncset.done $0x0  }
0xa5: {  	s25 =	simm.s32 $0x1B8E;
	[sflag:s24] =	ssyncadd.s32 $0xFFFFFFFF  }
0xa6: {  	s26 =	simm.s32 $execute0_lowered;
	[smem:$0x3FD2] =	sst s25  }
0xa7: {  	s5 =	sshll.u32 s26, $0x1;
	_ =	strace $0x80000046;
	[dreg:$0x1] =	wrdreg $0xFFFFFFFF  }
0xa8: {  	s28 =	simm.s32 $_size_execute0_lowered;
	s4 =	sadd.s32 s4, s5;
	[dreg:$0x0] =	wrdreg $0x0  }
0xa9: {  	s5 =	sshll.u32 s28, $0x1;
	[dreg:$0x2] =	wrdreg s4  }
0xaa: {  	[dreg:$0x3] =	wrdreg s5  }
0xab: {  	[dreg:$0x4] =	wrdreg $0xC0  }
0xac: {  	_ =	task [dreg:s8], $0x5FFFF  }
0xad: {  	[dreg:$0x1] =	wrdreg $0xFFFFFFFF  }
0xae: {  	[dreg:$0x0] =	wrdreg $0x60  }
0xaf: {  	[dreg:$0x2] =	wrdreg s2  }
0xb0: {  	[dreg:$0x3] =	wrdreg s19  }
0xb1: {  	[dreg:$0x4] =	wrdreg $0x9  }
0xb2: {  	_ =	task.clear_ibuf [dreg:s8], $0x5FFFF;
	_ =	strace $0x90000046  }
0xb3: {  	s29 =	simm.s32 $0x9;
	_ =	strace $0x80000048  }
0xb4: {  	_ =	swait.ge [sflag:s29], $0x1  }
0xb5: {  	[sflag:s29] =	ssyncadd.s32 $0xFFFFFFFF  }
0xb6: {  	_ =	strace $0x90000048  }
0xb7: {  	_ =	sfence  }
0xb8: {  	s30 =	sld [smem:$0x0];
	_ =	sdelay $0x2  }
0xb9: {  	s31 =	sshll.u32 s1, $0xD;
	s1 =	sshrl.u32 s1, $0x2  }
0xba: {  	s3 =	sand.u32 $0x4000, s31;
	s1 =	sadd.s32 s1, s30  }
0xbb: {  	s0 =	sor.u32 s3, s0;
	s1 =	sshll.u32 s1, $0x11  }
0xbc: {  	s0 =	sor.u32 s1, s0  }
0xbd: {  	s0 =	sadd.s32 $0x8F2B, s0  }
0xbe: {  	[sflag:s0] =	ssyncadd.remote.s32 $0x1  }
0xbf: {  	_ =	sfence.sel $0xFFFF  }
0xc0: {  	[dreg:$0x0] =	wrdreg $0xFFFFFFFF;
	(pc) =	sbr.abs _section_cstart, $3  }
0xc1: {  	[dreg:$0x1] =	wrdreg $0xFFFFFFFF  }
0xc2: {  	_ =	task.clear_ibuf [dreg:s8], $0x2FFFF;
	_ =	strace $0x9FFFFFFF  }
0xc3: {  	(tm) =	ssettm $0x7FFFFFFF  }
tec
execute0_lowered:
.L_overlay_start_1:
0x0: {  	(tag) =	ssettag $0x1  }
0x1: {  	s2 =	rddreg [dreg:$0x0]  }
0x2: {  	s3 =	rddreg [dreg:$0x1]  }
0x3: {  	s4 =	srdreg.scid;
	s0 =	rddreg [dreg:$0x2]  }
0x4: {  	s1 =	stileid.u32;
	s11 =	simm.s32 $0x0;
	s5 =	sand.u32 $0x1, s4  }
0x5: {  	s4 =	simm.s32 $0x0;
	s7 =	sshll.u32 s1, $0x1;
	s6 =	ssub.s32 $0x2, s5  }
0x6: {  	[smem:$0x7FF] =	sst s4;
	s5 =	sor.u32 s5, s7;
	s8 =	sshrl.u32 s6, $0x1  }
0x7: {  	s7 =	simm.s32 $0x1;
	_ =	strace $0x80000047;
	s6 =	ssub.s32 s6, s8  }
0x8: {  	s5 =	smul.u32 $0x6, s5;
	s8 =	simm.s32 $0x0;
	s6 =	smax.u32 s6, $0x1  }
.LBB2_1:
0x9: {  	s9 =	simm.s32 $0x0  }
.LBB2_2:
0xa: {  	s10 =	sadd.s32 s5, s9  }
0xb: {  	s12 =	simm.s32 $0x0;
	s10 =	smul.u32 $0x24000, s10  }
.LBB2_3:
0xc: {  	s13 =	smul.u32 $0x9000, s12;
	_ =	sdelay $0x1  }
0xd: {  	s13 =	sadd.s32 s10, s13  }
0xe: {  	s13 =	sshrl.u32 s13, $0x3  }
0xf: {  	s14 =	sadd.s32 s2, s13  }
0x10: {  	[tilespmem:s11], [sflag:$0x1] =	stream.linear.gather [hbm4b:s14+s11], $0x9000, $0x38;
	[tilespmem:$0x9000] =	vst v63  }
0x11: {  	_ =	swait.ge [sflag:s7], $0x9000  }
0x12: {  	[sflag:s7] =	ssyncset.done $0x0  }
0x13: {  	s14 =	simm.s32 $0x0;
	[sflag:s7] =	ssyncadd.s32 $0xFFFF7000  }
.LBB2_4:
0x14: {  	s15 =	sshrl.u32 s14, $0x3  }
0x15: {  	s15 =	smul.u32 $0x3000, s15  }
0x16: {  	s16 =	sshll.u32 s14, $0x7  }
0x17: {  	s17 =	simm.s32 $0x0;
	s16 =	sand.u32 $0x380, s16;
	s15 =	sshra.s32 s15, $0x2  }
0x18: {  	s31 =	sand.u32 $0xC00, s17;
	s15 =	sor.u32 s16, s15  }
0x19: {  	s17 =	sand.u32 $0x70, s17;
	s16 =	sadd.s32 s31, s15  }
0x1a: {  	s16 =	sadd.s32 s17, s16  }
0x1b: {  	v0 =	vld [tilespmem:s16+$0x0];
	_ =	sdelay $0x4  }
0x1c: {  	v0 =	vadd.f32 v0, v0;
	_ =	sdelay $0x1  }
0x1d: {  	v0 =	vmul.f32 $1.442695020e+00, v0;
	_ =	sdelay $0x1  }
0x1e: {  	(erf) = vpow2.f32 v0;
	_ =	sdelay $0x8  }
0x1f: {  	v0 =	vpop (erf)  }
0x20: {  	v0 =	vadd.f32 $1.000000000e+00, v0;
	_ =	sdelay $0x1  }
0x21: {  	(erf) = vrcp.f32 v0;
	_ =	sdelay $0x8  }
0x22: {  	v0 =	vpop (erf)  }
0x23: {  	v0 =	vadd.f32 v0, v0  }
0x24: {  	s17 =	simm.s32 $0x80  }
0x25: {  	s19 =	simm.s32 $0x10;
	s18 =	simm.s32 $0x20;
	s20 =	sand.u32 $0xC00, s17;
	v0 =	vsub.f32 $1.000000000e+00, v0  }
.LBB2_5:
0x26: {  	p0 =	sne.s32 s18, $0x170;
	s19 =	sand.u32 $0x70, s19;
	s20 =	sadd.s32 s20, s15  }
0x27: {  	[tilespmem:s16+$0x0] =	vst v0;
	s16 =	sadd.s32 s19, s20;
	s19 =	smov.u32 s18  }
0x28: {  	v0 =	vld [tilespmem:s16+$0x0];
	_ =	sdelay $0x4  }
0x29: {  	v0 =	vadd.f32 v0, v0;
	_ =	sdelay $0x1  }
0x2a: {  	v0 =	vmul.f32 $1.442695020e+00, v0;
	_ =	sdelay $0x1  }
0x2b: {  	(erf) = vpow2.f32 v0;
	_ =	sdelay $0x8  }
0x2c: {  	v0 =	vpop (erf)  }
0x2d: {  	v0 =	vadd.f32 $1.000000000e+00, v0;
	_ =	sdelay $0x1  }
0x2e: {  	(erf) = vrcp.f32 v0;
	_ =	sdelay $0x7  }
.Ltmp0:
0x2f: {  	(pc) =	sbr.rel @p0 .LBB2_5-.Ltmp0, $4  }
0x30: {  	v0 =	vpop (erf)  }
0x31: {  	v0 =	vadd.f32 v0, v0  }
0x32: {  	s17 =	sadd.s32 $0x80, s17  }
0x33: {  	s20 =	sand.u32 $0xC00, s17;
	s18 =	sadd.s32 $0x10, s18;
	v0 =	vsub.f32 $1.000000000e+00, v0  }
0x34: {  	s17 =	sand.u32 $0x70, s19;
	s15 =	sadd.s32 s20, s15  }
0x35: {  	s15 =	sadd.s32 s17, s15;
	[tilespmem:s16+$0x0] =	vst v0  }
0x36: {  	v0 =	vld [tilespmem:s15+$0x0];
	_ =	sdelay $0x4  }
0x37: {  	v0 =	vadd.f32 v0, v0;
	_ =	sdelay $0x1  }
0x38: {  	v0 =	vmul.f32 $1.442695020e+00, v0;
	_ =	sdelay $0x1  }
0x39: {  	(erf) = vpow2.f32 v0;
	_ =	sdelay $0x8  }
0x3a: {  	v0 =	vpop (erf)  }
0x3b: {  	v0 =	vadd.f32 $1.000000000e+00, v0;
	_ =	sdelay $0x1  }
0x3c: {  	(erf) = vrcp.f32 v0;
	_ =	sdelay $0x7  }
0x3d: {  	s14 =	sadd.s32 $0x1, s14  }
0x3e: {  	p0 =	sne.s32 s14, $0x60;
	v0 =	vpop (erf)  }
.Ltmp1:
0x3f: {  	v0 =	vadd.f32 v0, v0;
	(pc) =	sbr.rel @p0 .LBB2_4-.Ltmp1, $3  }
0x40: {  	_ = 	snop  }
0x41: {  	v0 =	vsub.f32 $1.000000000e+00, v0;
	_ =	sdelay $0x1  }
0x42: {  	[tilespmem:s15+$0x0] =	vst v0  }
0x43: {  	s12 =	sadd.s32 $0x1, s12  }
0x44: {  	p0 =	sne.s32 s12, $0x4  }
.Ltmp2:
0x45: {  	s13 =	sadd.s32 s3, s13;
	(pc) =	sbr.rel @p0 .LBB2_3-.Ltmp2, $4  }
0x46: {  	[hbm4b:s13+s4] =	stream.linear.scatter [tilespmem:s4], [sflag:$0x1], $0x9000, $0x38;
	[tilespmem:$0x9000] =	vst v63  }
0x47: {  	_ =	swait.ge [sflag:s7], $0x9000  }
0x48: {  	[sflag:s7] =	ssyncset.done $0x0  }
0x49: {  	[sflag:s7] =	ssyncadd.s32 $0xFFFF7000  }
0x4a: {  	s9 =	sadd.s32 $0x1, s9  }
0x4b: {  	p0 =	sne.s32 s9, $0x6  }
.Ltmp3:
0x4c: {  	_ = 	snop;
	(pc) =	sbr.rel @p0 .LBB2_2-.Ltmp3, $1  }
0x4d: {  	_ =	sdelay $0x3  }
0x4e: {  	s8 =	sadd.s32 $0x1, s8  }
0x4f: {  	p0 =	sne.s32 s8, s6  }
.Ltmp4:
0x50: {  	_ = 	snop;
	(pc) =	sbr.rel @p0 .LBB2_1-.Ltmp4, $1  }
0x51: {  	_ =	sdelay $0x3  }
0x52: {  	_ =	sfence.sel $0x180000  }
0x53: {  	[bflag:$0x0] =	sbarrier.arrive $0xFFFF  }
0x54: {  	p0 =	sne.s32 s1, $0x0;
	_ =	strace $0x90000047  }
0x55: {  	s0 =	sadd.s32 @!p0 $0x100000, s0;
	[bflag:$0x2] =	sbarrier.arrive $0xFFFF  }
0x56: {  	[sflag:s0] =	ssyncadd.tile.s32 @!p0 $0x1;
	_ =	shalt  }
.Lfunc_end2:
_tile_overlayer_lowered:
.L_overlay_start_2:
0x57: {  	(tag) =	ssettag $0x2  }
0x58: {  	s0 =	rddreg [dreg:$0x0];
	s2 =	stileid.u32  }
0x59: {  	s1 =	rddreg [dreg:$0x1];
	p0 =	sne.s32 s2, $0x0  }
0x5a: {  	s3 =	rddreg [dreg:$0x2];
	[bflag:$0x3] =	sbarrier.arrive $0xFFFF;
	s2 =	simm.s32 @!p0 $0x1C01  }
0x5b: {  	[timem:s3], [sflag:s2] =	dma.local @!p0 [hbm:s0], s1  }
0x5c: {  	s0 =	simm.s32 @!p0 $0x1  }
0x5d: {  	_ =	swait.ge @!p0 [sflag:s0], s1  }
0x5e: {  	s1 =	ssub.s32 @!p0 $0x0, s1;
	[sflag:s0] =	ssyncset.done @!p0 $0x0  }
0x5f: {  	[sflag:s0] =	ssyncadd.s32 @!p0 s1  }
0x60: {  	[bflag:$0x3] =	sbarrier.arrive $0xFFFF  }
0x61: {  	_ =	shalt  }

</sc_bundles>
